<compile_context>
chip_gen: v7x
topology: tpu7x:2x2x1
jax: 0.10.2.dev20260603
libtpu: 0.0.44.dev20260713+nightly
codegen_flags: <defaults>
</compile_context>

<pallas_src>
import jax
import jax.numpy as jnp
from jax import lax
from jax.experimental import pallas as pl
from jax.experimental.pallas import tpu as pltpu
from jax.experimental.pallas import tpu_sc as plsc

N = 512
CAP = 16
B = 16
LANES = 16
MAX_STEPS = 8
NS = 16


def _pointer_ac_body(p_hbm, s_hbm, k_hbm, logits_hbm, steps_hbm,
                     p_v, s_v, k_v, row_v, steps_v,
                     sem_p, sem_s, sem_k, sem_steps):
    wid = lax.axis_index("s")

    cp_p = pltpu.async_copy(p_hbm.at[0], p_v, sem_p)
    cp_s = pltpu.async_copy(s_hbm, s_v, sem_s)
    cp_k = pltpu.async_copy(k_hbm, k_v, sem_k)

    zeros = jnp.zeros((LANES,), jnp.float32)
    for t in range(N // LANES):
        row_v[pl.ds(t * LANES, LANES)] = zeros

    cp_k.wait()
    k_vec = k_v[...]

    @pl.when(wid == 0)
    def _():
        steps_v[...] = jnp.full((LANES,), jnp.max(k_vec), jnp.int32)
        pltpu.async_copy(steps_v, steps_hbm, sem_steps)

    cp_s.wait()
    cp_p.wait()

    a = s_v[...]
    for j in range(MAX_STEPS - 1):
        g = plsc.load_gather(p_v, [a])
        a = jnp.where(k_vec > j, g, a)

    lane = lax.iota(jnp.int32, LANES)
    my_winner = jnp.max(jnp.where(lane == wid, a, 0))
    plsc.store_scatter(row_v, [jnp.full((LANES,), my_winner)],
                       jnp.ones((LANES,), jnp.float32), mask=lane == 0)

    pltpu.sync_copy(row_v, logits_hbm.at[wid])

    @pl.when(wid == 0)
    def _():
        pltpu.make_async_copy(steps_v, steps_hbm, sem_steps).wait()


def kernel(p, s, k, W_rec):
    del W_rec
    mesh = plsc.VectorSubcoreMesh(core_axis_name="c", subcore_axis_name="s",
                                  num_cores=1, num_subcores=NS)
    run = pl.kernel(
        _pointer_ac_body,
        out_type=(
            jax.ShapeDtypeStruct((B, N), jnp.float32),
            jax.ShapeDtypeStruct((LANES,), jnp.int32),
        ),
        mesh=mesh,
        scratch_types=(
            pltpu.VMEM((N,), jnp.int32),
            pltpu.VMEM((B,), jnp.int32),
            pltpu.VMEM((B,), jnp.int32),
            pltpu.VMEM((N,), jnp.float32),
            pltpu.VMEM((LANES,), jnp.int32),
            pltpu.SemaphoreType.DMA,
            pltpu.SemaphoreType.DMA,
            pltpu.SemaphoreType.DMA,
            pltpu.SemaphoreType.DMA,
        ),
        compiler_params=pltpu.CompilerParams(needs_layout_passes=False),
        name="pointer_ac_sc",
    )
    logits, steps_vec = run(p, s, k)
    return logits, steps_vec[0]

# --- scband reference (transcript-rebuilt; emitter-appended) ---
"""Pipeline reference for scband-pointer-ac-39195871543573 (READ-ONLY COPY).

The authoritative reference and input builder live on the scoring server;
editing this copy changes nothing except your own understanding.
"""

import jax, jax.numpy as jnp
import numpy as np

N = 512
CAP = 16
B = 16
M = N * CAP


def setup_inputs(seed: int = 0) -> dict:
    key = jax.random.key(seed)
    k1, k2, k3 = jax.random.split(key, 3)
    # p: a permutation of N nodes (identity permutation via arange), shape [1, N]
    p = jnp.arange(N, dtype=jnp.int32).reshape(1, N)
    # s: start nodes for each batch element
    s = jax.random.randint(k1, (B,), 0, N, dtype=jnp.int32)
    # k: number of pointer-chasing steps per batch element
    k = jax.random.randint(k2, (B,), 0, 8, dtype=jnp.int32)
    # learned parameter: recurrent weights of the 'memory' area (overwritten by encode_permutation)
    W_rec = jax.random.normal(k3, (M, M), dtype=jnp.float32)
    return {"p": p, "s": s, "k": k, "W_rec": W_rec}


def _encode_permutation(p_row, W_rec):
    # encode_permutation: zero the recurrent weights, then set src-assembly -> dst-assembly
    # connections to 1.0, then normalize rows (net.normalize('memory')).
    P = jnp.zeros((N, N), dtype=jnp.float32).at[jnp.arange(N), p_row].set(1.0)
    struct = jnp.kron(P, jnp.ones((CAP, CAP), dtype=jnp.float32))
    W = W_rec * 0.0 + struct  # fill(0.0) then scatter-set structure entries to 1.0
    row_sum = jnp.sum(W, axis=1, keepdims=True)
    W = W / jnp.maximum(row_sum, 1e-6)
    return W


def reference(p, s, k, W_rec):
    W = _encode_permutation(p[0], W_rec)
    logits = jnp.zeros((B, N), dtype=jnp.float32)
    for i in range(B):
        si = s[i]
        ki = k[i]
        # clear activations, stimulate the assembly of node s (external stimulus -> winners = assembly s)
        vec = jax.lax.dynamic_update_slice(
            jnp.zeros((M,), dtype=jnp.float32),
            jnp.ones((CAP,), dtype=jnp.float32),
            (si * CAP,),
        )
        # k recurrent steps: matvec against recurrent weights + cap_size winner-take-all (top-k)
        def _step(_, vec):
            h = vec @ W
            _, idx = jax.lax.top_k(h, CAP)
            return jnp.zeros((M,), dtype=jnp.float32).at[idx].set(1.0)
        vec = jax.lax.fori_loop(0, ki, _step, vec)
        # overlap of final active set with each node assembly (assemblies are disjoint blocks)
        overlaps = jnp.reshape(vec, (N, CAP)).sum(axis=1)
        winner = jnp.argmax(overlaps)
        logits = logits.at[i, winner].set(1.0)
    steps = jnp.max(k)
    return (logits, jnp.asarray(steps, dtype=jnp.int32))

if __name__ == "__main__":
    import jax
    _d = setup_inputs()
    print(jax.jit(kernel)(*tuple(_d.values())))

</pallas_src>

<mosaic_0001>
#map = affine_map<(d0, d1) -> (0, 0)>
#map1 = affine_map<(d0, d1) -> (0)>
module attributes {stable_mosaic.version = 14 : i64} {
  func.func @pointer_ac_sc(%arg0: i32, %arg1: i32, %arg2: memref<1x512xi32, #tpu.memory_space<hbm>>, %arg3: memref<16xi32, #tpu.memory_space<hbm>>, %arg4: memref<16xi32, #tpu.memory_space<hbm>>, %arg5: memref<16x512xf32, #tpu.memory_space<hbm>>, %arg6: memref<16xi32, #tpu.memory_space<hbm>>, %arg7: memref<512xi32, #tpu.memory_space<vmem>>, %arg8: memref<16xi32, #tpu.memory_space<vmem>>, %arg9: memref<16xi32, #tpu.memory_space<vmem>>, %arg10: memref<512xf32, #tpu.memory_space<vmem>>, %arg11: memref<16xi32, #tpu.memory_space<vmem>>, %arg12: memref<!tpu.dma_semaphore, #tpu.memory_space<semaphore_mem>>, %arg13: memref<!tpu.dma_semaphore, #tpu.memory_space<semaphore_mem>>, %arg14: memref<!tpu.dma_semaphore, #tpu.memory_space<semaphore_mem>>, %arg15: memref<!tpu.dma_semaphore, #tpu.memory_space<semaphore_mem>>) attributes {dimension_semantics = [#tpu.dimension_semantics<core_parallel>, #tpu.dimension_semantics<subcore_parallel>], iteration_bounds = array<i64: 1, 16>, scalar_prefetch = 0 : i64, scratch_operands = 9 : i64, tpu.core_type = #tpu.core_type<sc_vector_subcore>, window_params = [{transform_indices = #map}, {transform_indices = #map1}, {transform_indices = #map1}, {transform_indices = #map}, {transform_indices = #map1}]} {
    %dma_start3A = arith.constant 0 : i32
    %dma_start3A_0 = arith.constant 0 : i32
    %dma_start3A_1 = tpu.memref_slice %arg2[%dma_start3A, %dma_start3A_0] : memref<1x512xi32, #tpu.memory_space<hbm>> -> memref<1x512xi32, #tpu.memory_space<hbm>>
    %dma_start3A_2 = tpu.memref_squeeze %dma_start3A_1 : memref<1x512xi32, #tpu.memory_space<hbm>> -> memref<512xi32, #tpu.memory_space<hbm>>
    %dma_start3A_3 = arith.constant 0 : i32
    %dma_start3A_4 = tpu.memref_slice %arg2[%dma_start3A, %dma_start3A_3] : memref<1x512xi32, #tpu.memory_space<hbm>> -> memref<1x512xi32, #tpu.memory_space<hbm>>
    %dma_start3A_5 = tpu.memref_squeeze %dma_start3A_4 : memref<1x512xi32, #tpu.memory_space<hbm>> -> memref<512xi32, #tpu.memory_space<hbm>>
    tpu.enqueue_dma source(%dma_start3A_5 : memref<512xi32, #tpu.memory_space<hbm>>) target(%arg7 : memref<512xi32, #tpu.memory_space<vmem>>) target_semaphore(%arg12 : memref<!tpu.dma_semaphore, #tpu.memory_space<semaphore_mem>>)
    tpu.enqueue_dma source(%arg3 : memref<16xi32, #tpu.memory_space<hbm>>) target(%arg8 : memref<16xi32, #tpu.memory_space<vmem>>) target_semaphore(%arg13 : memref<!tpu.dma_semaphore, #tpu.memory_space<semaphore_mem>>)
    tpu.enqueue_dma source(%arg4 : memref<16xi32, #tpu.memory_space<hbm>>) target(%arg9 : memref<16xi32, #tpu.memory_space<vmem>>) target_semaphore(%arg14 : memref<!tpu.dma_semaphore, #tpu.memory_space<semaphore_mem>>)
    %broadcast_in_dim3A = arith.constant 0.000000e+00 : f32
    %broadcast_in_dim3A_6 = vector.broadcast %broadcast_in_dim3A : f32 to vector<16xf32>
    %swap3A = arith.constant 0 : index
    %swap3A_7 = tpu.vector_load %arg10[%swap3A] {strides = array<i32>} : memref<512xf32, #tpu.memory_space<vmem>>, vector<16xf32>,
    tpu.vector_store %arg10[%swap3A], %broadcast_in_dim3A_6 {strides = array<i32>} : memref<512xf32, #tpu.memory_space<vmem>>, vector<16xf32>,
    %swap3A_8 = arith.constant 16 : index
    %swap3A_9 = tpu.vector_load %arg10[%swap3A_8] {strides = array<i32>} : memref<512xf32, #tpu.memory_space<vmem>>, vector<16xf32>,
    tpu.vector_store %arg10[%swap3A_8], %broadcast_in_dim3A_6 {strides = array<i32>} : memref<512xf32, #tpu.memory_space<vmem>>, vector<16xf32>,
    %swap3A_10 = arith.constant 32 : index
    %swap3A_11 = tpu.vector_load %arg10[%swap3A_10] {strides = array<i32>} : memref<512xf32, #tpu.memory_space<vmem>>, vector<16xf32>,
    tpu.vector_store %arg10[%swap3A_10], %broadcast_in_dim3A_6 {strides = array<i32>} : memref<512xf32, #tpu.memory_space<vmem>>, vector<16xf32>,
    %swap3A_12 = arith.constant 48 : index
    %swap3A_13 = tpu.vector_load %arg10[%swap3A_12] {strides = array<i32>} : memref<512xf32, #tpu.memory_space<vmem>>, vector<16xf32>,
    tpu.vector_store %arg10[%swap3A_12], %broadcast_in_dim3A_6 {strides = array<i32>} : memref<512xf32, #tpu.memory_space<vmem>>, vector<16xf32>,
    %swap3A_14 = arith.constant 64 : index
    %swap3A_15 = tpu.vector_load %arg10[%swap3A_14] {strides = array<i32>} : memref<512xf32, #tpu.memory_space<vmem>>, vector<16xf32>,
    tpu.vector_store %arg10[%swap3A_14], %broadcast_in_dim3A_6 {strides = array<i32>} : memref<512xf32, #tpu.memory_space<vmem>>, vector<16xf32>,
    %swap3A_16 = arith.constant 80 : index
    %swap3A_17 = tpu.vector_load %arg10[%swap3A_16] {strides = array<i32>} : memref<512xf32, #tpu.memory_space<vmem>>, vector<16xf32>,
    tpu.vector_store %arg10[%swap3A_16], %broadcast_in_dim3A_6 {strides = array<i32>} : memref<512xf32, #tpu.memory_space<vmem>>, vector<16xf32>,
    %swap3A_18 = arith.constant 96 : index
    %swap3A_19 = tpu.vector_load %arg10[%swap3A_18] {strides = array<i32>} : memref<512xf32, #tpu.memory_space<vmem>>, vector<16xf32>,
    tpu.vector_store %arg10[%swap3A_18], %broadcast_in_dim3A_6 {strides = array<i32>} : memref<512xf32, #tpu.memory_space<vmem>>, vector<16xf32>,
    %swap3A_20 = arith.constant 112 : index
    %swap3A_21 = tpu.vector_load %arg10[%swap3A_20] {strides = array<i32>} : memref<512xf32, #tpu.memory_space<vmem>>, vector<16xf32>,
    tpu.vector_store %arg10[%swap3A_20], %broadcast_in_dim3A_6 {strides = array<i32>} : memref<512xf32, #tpu.memory_space<vmem>>, vector<16xf32>,
    %swap3A_22 = arith.constant 128 : index
    %swap3A_23 = tpu.vector_load %arg10[%swap3A_22] {strides = array<i32>} : memref<512xf32, #tpu.memory_space<vmem>>, vector<16xf32>,
    tpu.vector_store %arg10[%swap3A_22], %broadcast_in_dim3A_6 {strides = array<i32>} : memref<512xf32, #tpu.memory_space<vmem>>, vector<16xf32>,
    %swap3A_24 = arith.constant 144 : index
    %swap3A_25 = tpu.vector_load %arg10[%swap3A_24] {strides = array<i32>} : memref<512xf32, #tpu.memory_space<vmem>>, vector<16xf32>,
    tpu.vector_store %arg10[%swap3A_24], %broadcast_in_dim3A_6 {strides = array<i32>} : memref<512xf32, #tpu.memory_space<vmem>>, vector<16xf32>,
    %swap3A_26 = arith.constant 160 : index
    %swap3A_27 = tpu.vector_load %arg10[%swap3A_26] {strides = array<i32>} : memref<512xf32, #tpu.memory_space<vmem>>, vector<16xf32>,
    tpu.vector_store %arg10[%swap3A_26], %broadcast_in_dim3A_6 {strides = array<i32>} : memref<512xf32, #tpu.memory_space<vmem>>, vector<16xf32>,
    %swap3A_28 = arith.constant 176 : index
    %swap3A_29 = tpu.vector_load %arg10[%swap3A_28] {strides = array<i32>} : memref<512xf32, #tpu.memory_space<vmem>>, vector<16xf32>,
    tpu.vector_store %arg10[%swap3A_28], %broadcast_in_dim3A_6 {strides = array<i32>} : memref<512xf32, #tpu.memory_space<vmem>>, vector<16xf32>,
    %swap3A_30 = arith.constant 192 : index
    %swap3A_31 = tpu.vector_load %arg10[%swap3A_30] {strides = array<i32>} : memref<512xf32, #tpu.memory_space<vmem>>, vector<16xf32>,
    tpu.vector_store %arg10[%swap3A_30], %broadcast_in_dim3A_6 {strides = array<i32>} : memref<512xf32, #tpu.memory_space<vmem>>, vector<16xf32>,
    %swap3A_32 = arith.constant 208 : index
    %swap3A_33 = tpu.vector_load %arg10[%swap3A_32] {strides = array<i32>} : memref<512xf32, #tpu.memory_space<vmem>>, vector<16xf32>,
    tpu.vector_store %arg10[%swap3A_32], %broadcast_in_dim3A_6 {strides = array<i32>} : memref<512xf32, #tpu.memory_space<vmem>>, vector<16xf32>,
    %swap3A_34 = arith.constant 224 : index
    %swap3A_35 = tpu.vector_load %arg10[%swap3A_34] {strides = array<i32>} : memref<512xf32, #tpu.memory_space<vmem>>, vector<16xf32>,
    tpu.vector_store %arg10[%swap3A_34], %broadcast_in_dim3A_6 {strides = array<i32>} : memref<512xf32, #tpu.memory_space<vmem>>, vector<16xf32>,
    %swap3A_36 = arith.constant 240 : index
    %swap3A_37 = tpu.vector_load %arg10[%swap3A_36] {strides = array<i32>} : memref<512xf32, #tpu.memory_space<vmem>>, vector<16xf32>,
    tpu.vector_store %arg10[%swap3A_36], %broadcast_in_dim3A_6 {strides = array<i32>} : memref<512xf32, #tpu.memory_space<vmem>>, vector<16xf32>,
    %swap3A_38 = arith.constant 256 : index
    %swap3A_39 = tpu.vector_load %arg10[%swap3A_38] {strides = array<i32>} : memref<512xf32, #tpu.memory_space<vmem>>, vector<16xf32>,
    tpu.vector_store %arg10[%swap3A_38], %broadcast_in_dim3A_6 {strides = array<i32>} : memref<512xf32, #tpu.memory_space<vmem>>, vector<16xf32>,
    %swap3A_40 = arith.constant 272 : index
    %swap3A_41 = tpu.vector_load %arg10[%swap3A_40] {strides = array<i32>} : memref<512xf32, #tpu.memory_space<vmem>>, vector<16xf32>,
    tpu.vector_store %arg10[%swap3A_40], %broadcast_in_dim3A_6 {strides = array<i32>} : memref<512xf32, #tpu.memory_space<vmem>>, vector<16xf32>,
    %swap3A_42 = arith.constant 288 : index
    %swap3A_43 = tpu.vector_load %arg10[%swap3A_42] {strides = array<i32>} : memref<512xf32, #tpu.memory_space<vmem>>, vector<16xf32>,
    tpu.vector_store %arg10[%swap3A_42], %broadcast_in_dim3A_6 {strides = array<i32>} : memref<512xf32, #tpu.memory_space<vmem>>, vector<16xf32>,
    %swap3A_44 = arith.constant 304 : index
    %swap3A_45 = tpu.vector_load %arg10[%swap3A_44] {strides = array<i32>} : memref<512xf32, #tpu.memory_space<vmem>>, vector<16xf32>,
    tpu.vector_store %arg10[%swap3A_44], %broadcast_in_dim3A_6 {strides = array<i32>} : memref<512xf32, #tpu.memory_space<vmem>>, vector<16xf32>,
    %swap3A_46 = arith.constant 320 : index
    %swap3A_47 = tpu.vector_load %arg10[%swap3A_46] {strides = array<i32>} : memref<512xf32, #tpu.memory_space<vmem>>, vector<16xf32>,
    tpu.vector_store %arg10[%swap3A_46], %broadcast_in_dim3A_6 {strides = array<i32>} : memref<512xf32, #tpu.memory_space<vmem>>, vector<16xf32>,
    %swap3A_48 = arith.constant 336 : index
    %swap3A_49 = tpu.vector_load %arg10[%swap3A_48] {strides = array<i32>} : memref<512xf32, #tpu.memory_space<vmem>>, vector<16xf32>,
    tpu.vector_store %arg10[%swap3A_48], %broadcast_in_dim3A_6 {strides = array<i32>} : memref<512xf32, #tpu.memory_space<vmem>>, vector<16xf32>,
    %swap3A_50 = arith.constant 352 : index
    %swap3A_51 = tpu.vector_load %arg10[%swap3A_50] {strides = array<i32>} : memref<512xf32, #tpu.memory_space<vmem>>, vector<16xf32>,
    tpu.vector_store %arg10[%swap3A_50], %broadcast_in_dim3A_6 {strides = array<i32>} : memref<512xf32, #tpu.memory_space<vmem>>, vector<16xf32>,
    %swap3A_52 = arith.constant 368 : index
    %swap3A_53 = tpu.vector_load %arg10[%swap3A_52] {strides = array<i32>} : memref<512xf32, #tpu.memory_space<vmem>>, vector<16xf32>,
    tpu.vector_store %arg10[%swap3A_52], %broadcast_in_dim3A_6 {strides = array<i32>} : memref<512xf32, #tpu.memory_space<vmem>>, vector<16xf32>,
    %swap3A_54 = arith.constant 384 : index
    %swap3A_55 = tpu.vector_load %arg10[%swap3A_54] {strides = array<i32>} : memref<512xf32, #tpu.memory_space<vmem>>, vector<16xf32>,
    tpu.vector_store %arg10[%swap3A_54], %broadcast_in_dim3A_6 {strides = array<i32>} : memref<512xf32, #tpu.memory_space<vmem>>, vector<16xf32>,
    %swap3A_56 = arith.constant 400 : index
    %swap3A_57 = tpu.vector_load %arg10[%swap3A_56] {strides = array<i32>} : memref<512xf32, #tpu.memory_space<vmem>>, vector<16xf32>,
    tpu.vector_store %arg10[%swap3A_56], %broadcast_in_dim3A_6 {strides = array<i32>} : memref<512xf32, #tpu.memory_space<vmem>>, vector<16xf32>,
    %swap3A_58 = arith.constant 416 : index
    %swap3A_59 = tpu.vector_load %arg10[%swap3A_58] {strides = array<i32>} : memref<512xf32, #tpu.memory_space<vmem>>, vector<16xf32>,
    tpu.vector_store %arg10[%swap3A_58], %broadcast_in_dim3A_6 {strides = array<i32>} : memref<512xf32, #tpu.memory_space<vmem>>, vector<16xf32>,
    %swap3A_60 = arith.constant 432 : index
    %swap3A_61 = tpu.vector_load %arg10[%swap3A_60] {strides = array<i32>} : memref<512xf32, #tpu.memory_space<vmem>>, vector<16xf32>,
    tpu.vector_store %arg10[%swap3A_60], %broadcast_in_dim3A_6 {strides = array<i32>} : memref<512xf32, #tpu.memory_space<vmem>>, vector<16xf32>,
    %swap3A_62 = arith.constant 448 : index
    %swap3A_63 = tpu.vector_load %arg10[%swap3A_62] {strides = array<i32>} : memref<512xf32, #tpu.memory_space<vmem>>, vector<16xf32>,
    tpu.vector_store %arg10[%swap3A_62], %broadcast_in_dim3A_6 {strides = array<i32>} : memref<512xf32, #tpu.memory_space<vmem>>, vector<16xf32>,
    %swap3A_64 = arith.constant 464 : index
    %swap3A_65 = tpu.vector_load %arg10[%swap3A_64] {strides = array<i32>} : memref<512xf32, #tpu.memory_space<vmem>>, vector<16xf32>,
    tpu.vector_store %arg10[%swap3A_64], %broadcast_in_dim3A_6 {strides = array<i32>} : memref<512xf32, #tpu.memory_space<vmem>>, vector<16xf32>,
    %swap3A_66 = arith.constant 480 : index
    %swap3A_67 = tpu.vector_load %arg10[%swap3A_66] {strides = array<i32>} : memref<512xf32, #tpu.memory_space<vmem>>, vector<16xf32>,
    tpu.vector_store %arg10[%swap3A_66], %broadcast_in_dim3A_6 {strides = array<i32>} : memref<512xf32, #tpu.memory_space<vmem>>, vector<16xf32>,
    %swap3A_68 = arith.constant 496 : index
    %swap3A_69 = tpu.vector_load %arg10[%swap3A_68] {strides = array<i32>} : memref<512xf32, #tpu.memory_space<vmem>>, vector<16xf32>,
    tpu.vector_store %arg10[%swap3A_68], %broadcast_in_dim3A_6 {strides = array<i32>} : memref<512xf32, #tpu.memory_space<vmem>>, vector<16xf32>,
    tpu.wait_dma2 semaphore(%arg14 : memref<!tpu.dma_semaphore, #tpu.memory_space<semaphore_mem>>) src(%arg4 : memref<16xi32, #tpu.memory_space<hbm>>) dst(%arg9 : memref<16xi32, #tpu.memory_space<vmem>>)
    %get3A = arith.constant 0 : index
    %get3A_70 = tpu.vector_load %arg9[%get3A] {strides = array<i32>} : memref<16xi32, #tpu.memory_space<vmem>>, vector<16xi32>,
    %eq3A = arith.constant 0 : i32
    %eq3A_71 = arith.cmpi eq, %arg1, %eq3A : i32
    %convert_element_type3A = arith.extui %eq3A_71 : i1 to i32
    %cond3A = arith.constant 0 : i32
    %cond3A_72 = arith.cmpi ne, %convert_element_type3A, %cond3A : i32
    scf.if %cond3A_72 {
      %reduce_max3A_135 = arith.constant true
      %reduce_max3A_136 = vector.broadcast %reduce_max3A_135 : i1 to vector<16xi1>
      %reduce_max3A_137 = arith.constant -2147483648 : i32
      %reduce_max3A_138 = vector.broadcast %reduce_max3A_137 : i32 to vector<16xi32>
      %reduce_max3A_139 = arith.xori %get3A_70, %reduce_max3A_138 : vector<16xi32>
      %reduce_max3A_140 = tpu.scan <max>, %reduce_max3A_139 masked %reduce_max3A_136 : vector<16xi32>, vector<16xi1> -> vector<16xi32>
      %reduce_max3A_141 = arith.xori %reduce_max3A_140, %reduce_max3A_138 : vector<16xi32>
      %reduce_max3A_142 = vector.extract %reduce_max3A_141[15] : i32 from vector<16xi32>
      %broadcast_in_dim3A_143 = vector.broadcast %reduce_max3A_142 : i32 to vector<16xi32>
      %swap3A_144 = arith.constant 0 : index
      %swap3A_145 = tpu.vector_load %arg11[%swap3A_144] {strides = array<i32>} : memref<16xi32, #tpu.memory_space<vmem>>, vector<16xi32>,
      tpu.vector_store %arg11[%swap3A_144], %broadcast_in_dim3A_143 {strides = array<i32>} : memref<16xi32, #tpu.memory_space<vmem>>, vector<16xi32>,
      tpu.enqueue_dma source(%arg11 : memref<16xi32, #tpu.memory_space<vmem>>) target(%arg6 : memref<16xi32, #tpu.memory_space<hbm>>) target_semaphore(%arg15 : memref<!tpu.dma_semaphore, #tpu.memory_space<semaphore_mem>>)
    } else {
    }
    tpu.wait_dma2 semaphore(%arg13 : memref<!tpu.dma_semaphore, #tpu.memory_space<semaphore_mem>>) src(%arg3 : memref<16xi32, #tpu.memory_space<hbm>>) dst(%arg8 : memref<16xi32, #tpu.memory_space<vmem>>)
    %dma_wait3A = arith.constant 0 : i32
    %dma_wait3A_73 = arith.constant 0 : i32
    %dma_wait3A_74 = tpu.memref_slice %arg2[%dma_wait3A, %dma_wait3A_73] : memref<1x512xi32, #tpu.memory_space<hbm>> -> memref<1x512xi32, #tpu.memory_space<hbm>>
    %dma_wait3A_75 = tpu.memref_squeeze %dma_wait3A_74 : memref<1x512xi32, #tpu.memory_space<hbm>> -> memref<512xi32, #tpu.memory_space<hbm>>
    %dma_wait3A_76 = arith.constant 0 : i32
    %dma_wait3A_77 = tpu.memref_slice %arg2[%dma_wait3A, %dma_wait3A_76] : memref<1x512xi32, #tpu.memory_space<hbm>> -> memref<1x512xi32, #tpu.memory_space<hbm>>
    %dma_wait3A_78 = tpu.memref_squeeze %dma_wait3A_77 : memref<1x512xi32, #tpu.memory_space<hbm>> -> memref<512xi32, #tpu.memory_space<hbm>>
    tpu.wait_dma2 semaphore(%arg12 : memref<!tpu.dma_semaphore, #tpu.memory_space<semaphore_mem>>) src(%dma_wait3A_78 : memref<512xi32, #tpu.memory_space<hbm>>) dst(%arg7 : memref<512xi32, #tpu.memory_space<vmem>>)
    %get3A_79 = arith.constant 0 : index
    %get3A_80 = tpu.vector_load %arg8[%get3A_79] {strides = array<i32>} : memref<16xi32, #tpu.memory_space<vmem>>, vector<16xi32>,
    %gather3A = tpu.vector_load_idx %arg7[%get3A_80] : memref<512xi32, #tpu.memory_space<vmem>>[vector<16xi32>], vector<16xi32>,
    %gt3A = arith.constant 0 : i32
    %gt3A_81 = vector.broadcast %gt3A : i32 to vector<16xi32>
    %gt3A_82 = arith.cmpi sgt, %get3A_70, %gt3A_81 : vector<16xi32>
    %select_n3A = arith.select %gt3A_82, %gather3A, %get3A_80 : vector<16xi1>, vector<16xi32>
    %gather3A_83 = tpu.vector_load_idx %arg7[%select_n3A] : memref<512xi32, #tpu.memory_space<vmem>>[vector<16xi32>], vector<16xi32>,
    %gt3A_84 = arith.constant 1 : i32
    %gt3A_85 = vector.broadcast %gt3A_84 : i32 to vector<16xi32>
    %gt3A_86 = arith.cmpi sgt, %get3A_70, %gt3A_85 : vector<16xi32>
    %select_n3A_87 = arith.select %gt3A_86, %gather3A_83, %select_n3A : vector<16xi1>, vector<16xi32>
    %gather3A_88 = tpu.vector_load_idx %arg7[%select_n3A_87] : memref<512xi32, #tpu.memory_space<vmem>>[vector<16xi32>], vector<16xi32>,
    %gt3A_89 = arith.constant 2 : i32
    %gt3A_90 = vector.broadcast %gt3A_89 : i32 to vector<16xi32>
    %gt3A_91 = arith.cmpi sgt, %get3A_70, %gt3A_90 : vector<16xi32>
    %select_n3A_92 = arith.select %gt3A_91, %gather3A_88, %select_n3A_87 : vector<16xi1>, vector<16xi32>
    %gather3A_93 = tpu.vector_load_idx %arg7[%select_n3A_92] : memref<512xi32, #tpu.memory_space<vmem>>[vector<16xi32>], vector<16xi32>,
    %gt3A_94 = arith.constant 3 : i32
    %gt3A_95 = vector.broadcast %gt3A_94 : i32 to vector<16xi32>
    %gt3A_96 = arith.cmpi sgt, %get3A_70, %gt3A_95 : vector<16xi32>
    %select_n3A_97 = arith.select %gt3A_96, %gather3A_93, %select_n3A_92 : vector<16xi1>, vector<16xi32>
    %gather3A_98 = tpu.vector_load_idx %arg7[%select_n3A_97] : memref<512xi32, #tpu.memory_space<vmem>>[vector<16xi32>], vector<16xi32>,
    %gt3A_99 = arith.constant 4 : i32
    %gt3A_100 = vector.broadcast %gt3A_99 : i32 to vector<16xi32>
    %gt3A_101 = arith.cmpi sgt, %get3A_70, %gt3A_100 : vector<16xi32>
    %select_n3A_102 = arith.select %gt3A_101, %gather3A_98, %select_n3A_97 : vector<16xi1>, vector<16xi32>
    %gather3A_103 = tpu.vector_load_idx %arg7[%select_n3A_102] : memref<512xi32, #tpu.memory_space<vmem>>[vector<16xi32>], vector<16xi32>,
    %gt3A_104 = arith.constant 5 : i32
    %gt3A_105 = vector.broadcast %gt3A_104 : i32 to vector<16xi32>
    %gt3A_106 = arith.cmpi sgt, %get3A_70, %gt3A_105 : vector<16xi32>
    %select_n3A_107 = arith.select %gt3A_106, %gather3A_103, %select_n3A_102 : vector<16xi1>, vector<16xi32>
    %gather3A_108 = tpu.vector_load_idx %arg7[%select_n3A_107] : memref<512xi32, #tpu.memory_space<vmem>>[vector<16xi32>], vector<16xi32>,
    %gt3A_109 = arith.constant 6 : i32
    %gt3A_110 = vector.broadcast %gt3A_109 : i32 to vector<16xi32>
    %gt3A_111 = arith.cmpi sgt, %get3A_70, %gt3A_110 : vector<16xi32>
    %select_n3A_112 = arith.select %gt3A_111, %gather3A_108, %select_n3A_107 : vector<16xi1>, vector<16xi32>
    %iota3A = tpu.iota {dimensions = array<i32: 0>} : vector<16xi32>
    %eq3A_113 = vector.broadcast %arg1 : i32 to vector<16xi32>
    %eq3A_114 = arith.cmpi eq, %iota3A, %eq3A_113 : vector<16xi32>
    %jit3A = arith.constant 0 : i32
    %broadcast_in_dim3A_115 = vector.broadcast %jit3A : i32 to vector<16xi32>
    %select_n3A_116 = arith.select %eq3A_114, %select_n3A_112, %broadcast_in_dim3A_115 : vector<16xi1>, vector<16xi32>
    %reduce_max3A = arith.constant true
    %reduce_max3A_117 = vector.broadcast %reduce_max3A : i1 to vector<16xi1>
    %reduce_max3A_118 = arith.constant -2147483648 : i32
    %reduce_max3A_119 = vector.broadcast %reduce_max3A_118 : i32 to vector<16xi32>
    %reduce_max3A_120 = arith.xori %select_n3A_116, %reduce_max3A_119 : vector<16xi32>
    %reduce_max3A_121 = tpu.scan <max>, %reduce_max3A_120 masked %reduce_max3A_117 : vector<16xi32>, vector<16xi1> -> vector<16xi32>
    %reduce_max3A_122 = arith.xori %reduce_max3A_121, %reduce_max3A_119 : vector<16xi32>
    %reduce_max3A_123 = vector.extract %reduce_max3A_122[15] : i32 from vector<16xi32>
    %broadcast_in_dim3A_124 = vector.broadcast %reduce_max3A_123 : i32 to vector<16xi32>
    %broadcast_in_dim3A_125 = arith.constant 1.000000e+00 : f32
    %broadcast_in_dim3A_126 = vector.broadcast %broadcast_in_dim3A_125 : f32 to vector<16xf32>
    %eq3A_127 = arith.constant 0 : i32
    %eq3A_128 = vector.broadcast %eq3A_127 : i32 to vector<16xi32>
    %eq3A_129 = arith.cmpi eq, %iota3A, %eq3A_128 : vector<16xi32>
    tpu.vector_store_idx %arg10[%broadcast_in_dim3A_124], %broadcast_in_dim3A_126 masked %eq3A_129 : memref<512xf32, #tpu.memory_space<vmem>>[vector<16xi32>], vector<16xf32>, vector<16xi1>
    "tpu.region"() ({
      %run_scoped3A = tpu.sem_alloc : memref<!tpu.dma_semaphore, #tpu.memory_space<semaphore_mem>>
      %dma_start3A_135 = arith.constant 0 : i32
      %dma_start3A_136 = tpu.memref_slice %arg5[%arg1, %dma_start3A_135] : memref<16x512xf32, #tpu.memory_space<hbm>> -> memref<1x512xf32, #tpu.memory_space<hbm>>
      %dma_start3A_137 = tpu.memref_squeeze %dma_start3A_136 : memref<1x512xf32, #tpu.memory_space<hbm>> -> memref<512xf32, #tpu.memory_space<hbm>>
      %dma_start3A_138 = arith.constant 0 : i32
      %dma_start3A_139 = tpu.memref_slice %arg5[%arg1, %dma_start3A_138] : memref<16x512xf32, #tpu.memory_space<hbm>> -> memref<1x512xf32, #tpu.memory_space<hbm>>
      %dma_start3A_140 = tpu.memref_squeeze %dma_start3A_139 : memref<1x512xf32, #tpu.memory_space<hbm>> -> memref<512xf32, #tpu.memory_space<hbm>>
      tpu.enqueue_dma source(%arg10 : memref<512xf32, #tpu.memory_space<vmem>>) target(%dma_start3A_140 : memref<512xf32, #tpu.memory_space<hbm>>) target_semaphore(%run_scoped3A : memref<!tpu.dma_semaphore, #tpu.memory_space<semaphore_mem>>)
      %dma_wait3A_141 = arith.constant 0 : i32
      %dma_wait3A_142 = tpu.memref_slice %arg5[%arg1, %dma_wait3A_141] : memref<16x512xf32, #tpu.memory_space<hbm>> -> memref<1x512xf32, #tpu.memory_space<hbm>>
      %dma_wait3A_143 = tpu.memref_squeeze %dma_wait3A_142 : memref<1x512xf32, #tpu.memory_space<hbm>> -> memref<512xf32, #tpu.memory_space<hbm>>
      %dma_wait3A_144 = arith.constant 0 : i32
      %dma_wait3A_145 = tpu.memref_slice %arg5[%arg1, %dma_wait3A_144] : memref<16x512xf32, #tpu.memory_space<hbm>> -> memref<1x512xf32, #tpu.memory_space<hbm>>
      %dma_wait3A_146 = tpu.memref_squeeze %dma_wait3A_145 : memref<1x512xf32, #tpu.memory_space<hbm>> -> memref<512xf32, #tpu.memory_space<hbm>>
      tpu.wait_dma2 semaphore(%run_scoped3A : memref<!tpu.dma_semaphore, #tpu.memory_space<semaphore_mem>>) src(%arg10 : memref<512xf32, #tpu.memory_space<vmem>>) dst(%dma_wait3A_146 : memref<512xf32, #tpu.memory_space<hbm>>)
      tpu.yield
    }) : () -> ()
    %eq3A_130 = arith.constant 0 : i32
    %eq3A_131 = arith.cmpi eq, %arg1, %eq3A_130 : i32
    %convert_element_type3A_132 = arith.extui %eq3A_131 : i1 to i32
    %cond3A_133 = arith.constant 0 : i32
    %cond3A_134 = arith.cmpi ne, %convert_element_type3A_132, %cond3A_133 : i32
    scf.if %cond3A_134 {
      tpu.wait_dma2 semaphore(%arg15 : memref<!tpu.dma_semaphore, #tpu.memory_space<semaphore_mem>>) src(%arg11 : memref<16xi32, #tpu.memory_space<vmem>>) dst(%arg6 : memref<16xi32, #tpu.memory_space<hbm>>)
    } else {
    }
    return
  }
}

</mosaic_0001>

<sc_bundles>
// kernel: pointer_ac_sc.3.cloned.1.call-start
scs
__scs_entry_jumppad:
0x0: {  	(pc) =	sbr.rel $0x88, $3  }
0x1: {  	(tag) =	ssettag $0x0;
	lr =	simm.s32 $0x1  }
0x2: {  	[smem:$0x3F9E] =	sst lr;
	_ =	strace $0xD0000000  }
0x3: {  	_ = 	snop  }
0x4: {  	_ = 	snop  }
0x5: {  	_ = 	snop  }
0x6: {  	_ = 	snop  }
0x7: {  	_ = 	snop  }
__scs_overlays_trampoline_lowered:
0x8: {  	[smem:$0x3FAD] =	sst s0  }
0x9: {  	[smem:$0x3FAE] =	sst s1  }
0xa: {  	[smem:$0x3FAF] =	sst s2  }
0xb: {  	[smem:$0x3FB0] =	sst s3  }
0xc: {  	[smem:$0x3FB1] =	sst s4  }
0xd: {  	[smem:$0x3FB2] =	sst s5  }
0xe: {  	[smem:$0x3FB3] =	sst s6  }
0xf: {  	[smem:$0x3FB4] =	sst s7  }
0x10: {  	[smem:$0x3FB5] =	sst s8  }
0x11: {  	[smem:$0x3FB6] =	sst s9;
	s0 =	simm.s32 @!p0 $0x0  }
0x12: {  	s1 =	sld [smem:$0x3F9C];
	s0 =	simm.s32 @p0 $0x1  }
0x13: {  	[smem:$0x3FB7] =	sst s0;
	s0 =	simm.s32 @!p1 $0x0  }
0x14: {  	s2 =	sld [smem:$0x3F9B];
	s0 =	simm.s32 @p1 $0x1  }
0x15: {  	[smem:$0x3FB8] =	sst s0;
	s0 =	simm.s32 @!p2 $0x0  }
0x16: {  	s3 =	sld [smem:$0x3FDB];
	s0 =	simm.s32 @p2 $0x1  }
0x17: {  	s4 =	simm.s32 $0x1BF5;
	[smem:$0x3FBA] =	sst s0  }
0x18: {  	s0 =	sld [smem:$0x3F9D];
	_ =	swait.ge [sflag:s4], $0x0  }
0x19: {  	s7 =	sld [smem:$0x3F9E]  }
0x1a: {  	s8 =	sadd.s32 $0xFFFFE003, lr  }
0x1b: {  	s9 =	sadd.s32 $0xFFFFFEF7, lr;
	s5 =	simm.s32 $0xFFFFFFFF;
	p2 =	slt.u32 s8, $0xFFFFF086  }
0x1c: {  	p1 =	slt.u32 s9, $0xF7A;
	s5 =	simm.s32 @!p2 $0x0  }
0x1d: {  	s5 =	simm.s32 @p1 $0x1;
	p0 =	seq.s32 s7, s2  }
0x1e: {  	s7 =	smul.u32 @!p0 $0xF7A, s2;
	p2 =	seq.s32 @!p0 s5, $0x0  }
0x1f: {  	s9 =	smul.u32 $0xF7A, s1;
	s8 =	simm.s32 @!p0 $0x1BF5;
	p2 =	por !p2, p0  }
0x20: {  	[sflag:s8] =	ssyncset.s32 @!p0 $0xFFFFF086;
	s6 =	sadd.s32 @!p0 s3, s7;
	s7 =	simm.s32 @!p0 $0x108  }
0x21: {  	s3 =	sadd.s32 s3, s9;
	s6 =	sadd.s32 @!p0 $0x88, s6;
	s7 =	simm.s32 @p2 $0x1082  }
0x22: {  	[simem:s7], [sflag:s8] =	dma.local @!p0 [hbm:s6], $0xF7A  }
0x23: {  	s9 =	sor.u32 $0xD0000000, s2;
	s6 =	simm.s32 $0x108;
	_ =	swait.ge @!p0 [sflag:s8], $0x0  }
0x24: {  	s3 =	sadd.s32 $0x88, s3;
	s6 =	simm.s32 @!p1 $0x1082;
	[sflag:s4] =	ssyncset.s32 $0xFFFFF086  }
0x25: {  	[simem:s6], [sflag:s4] =	dma.local [hbm:s3], $0xF7A  }
0x26: {  	[smem:$0x3F9E] =	sst s1;
	(tag) =	ssettag s2;
	_ =	strace s9  }
0x27: {  	s1 =	sld [smem:$0x3FAE]  }
0x28: {  	s2 =	sld [smem:$0x3FAF]  }
0x29: {  	s4 =	sld [smem:$0x3FB1]  }
0x2a: {  	p0 =	seq.s32 s5, $0x0;
	s5 =	sld [smem:$0x3FB2]  }
0x2b: {  	s6 =	sld [smem:$0x3FB3]  }
0x2c: {  	s7 =	sld [smem:$0x3FB4]  }
0x2d: {  	s3 =	simm.s32 $0x108;
	s8 =	sld [smem:$0x3FB5]  }
0x2e: {  	s3 =	simm.s32 @!p0 $0x1082;
	s9 =	sld [smem:$0x3FB6]  }
0x2f: {  	lr =	sadd.s32 s0, s3;
	s0 =	sld [smem:$0x3FAD]  }
0x30: {  	s3 =	sld [smem:$0x3FB0]  }
0x31: {  	[smem:$0x3FB9] =	sst s10  }
0x32: {  	s10 =	sld [smem:$0x3FB7];
	_ =	sdelay $0x3  }
0x33: {  	p0 =	seq.s32 s10, $0x1;
	s10 =	sld [smem:$0x3FB9];
	_ =	sdelay $0x3  }
0x34: {  	[smem:$0x3FB9] =	sst s10  }
0x35: {  	s10 =	sld [smem:$0x3FB8];
	_ =	sdelay $0x3  }
0x36: {  	p1 =	seq.s32 s10, $0x1;
	s10 =	sld [smem:$0x3FB9];
	_ =	sdelay $0x3  }
0x37: {  	[smem:$0x3FB9] =	sst s10  }
0x38: {  	s10 =	sld [smem:$0x3FBA]  }
0x39: {  	_ = 	snop;
	(pc) =	sbr.ind lr, $3  }
0x3a: {  	_ = 	snop  }
0x3b: {  	_ = 	snop  }
0x3c: {  	p2 =	seq.s32 s10, $0x1;
	s10 =	sld [smem:$0x3FB9]  }
0x3d: {  	_ =	shalt  }
0x3e: {  	_ =	shalt  }
0x3f: {  	_ =	shalt  }
0x40: {  	_ =	shalt  }
0x41: {  	_ =	shalt  }
0x42: {  	_ =	shalt  }
0x43: {  	_ =	shalt  }
0x44: {  	_ =	shalt  }
0x45: {  	_ =	shalt  }
0x46: {  	_ =	shalt  }
0x47: {  	_ =	shalt  }
0x48: {  	_ =	shalt  }
0x49: {  	_ =	shalt  }
0x4a: {  	_ =	shalt  }
0x4b: {  	_ =	shalt  }
0x4c: {  	_ =	shalt  }
0x4d: {  	_ =	shalt  }
0x4e: {  	_ =	shalt  }
0x4f: {  	_ =	shalt  }
0x50: {  	_ =	shalt  }
0x51: {  	_ =	shalt  }
0x52: {  	_ =	shalt  }
0x53: {  	_ =	shalt  }
0x54: {  	_ =	shalt  }
0x55: {  	_ =	shalt  }
0x56: {  	_ =	shalt  }
0x57: {  	_ =	shalt  }
0x58: {  	_ =	shalt  }
0x59: {  	_ =	shalt  }
0x5a: {  	_ =	shalt  }
0x5b: {  	_ =	shalt  }
0x5c: {  	_ =	shalt  }
0x5d: {  	_ =	shalt  }
0x5e: {  	_ =	shalt  }
0x5f: {  	_ =	shalt  }
0x60: {  	_ =	shalt  }
0x61: {  	_ =	shalt  }
0x62: {  	_ =	shalt  }
0x63: {  	_ =	shalt  }
0x64: {  	_ =	shalt  }
0x65: {  	_ =	shalt  }
0x66: {  	_ =	shalt  }
0x67: {  	_ =	shalt  }
0x68: {  	_ =	shalt  }
0x69: {  	_ =	shalt  }
0x6a: {  	_ =	shalt  }
0x6b: {  	_ =	shalt  }
0x6c: {  	_ =	shalt  }
0x6d: {  	_ =	shalt  }
0x6e: {  	_ =	shalt  }
0x6f: {  	_ =	shalt  }
0x70: {  	_ =	shalt  }
0x71: {  	_ =	shalt  }
0x72: {  	_ =	shalt  }
0x73: {  	_ =	shalt  }
0x74: {  	_ =	shalt  }
0x75: {  	_ =	shalt  }
0x76: {  	_ =	shalt  }
0x77: {  	_ =	shalt  }
0x78: {  	_ =	shalt  }
0x79: {  	_ =	shalt  }
0x7a: {  	_ =	shalt  }
0x7b: {  	_ =	shalt  }
0x7c: {  	_ =	shalt  }
0x7d: {  	_ =	shalt  }
0x7e: {  	_ =	shalt  }
0x7f: {  	_ =	shalt  }
0x80: {  	_ =	shalt  }
0x81: {  	_ =	shalt  }
0x82: {  	_ =	shalt  }
0x83: {  	_ =	shalt  }
0x84: {  	_ =	shalt  }
0x85: {  	_ =	shalt  }
0x86: {  	_ =	shalt  }
0x87: {  	_ =	shalt  }
.Lfunc_end0:
.L_simem_size_0:
called_computation_lowered:
.L_overlay_start_0:
0x88: {  	s0 =	sld [smem:$0x3FD9]  }
0x89: {  	s1 =	sld [smem:$0x3FFE];
	_ =	sdelay $0x3  }
0x8a: {  	s0 =	sadd.s32 s1, s0  }
0x8b: {  	[smem:$0x3FC5] =	sst s0  }
0x8c: {  	_ = 	snop  }
0x8d: {  	s0 =	sld [smem:$0x3FD0]  }
0x8e: {  	s14 =	sld [smem:$0x3FC9]  }
0x8f: {  	s2 =	sld [smem:$0x3FC8]  }
0x90: {  	s4 =	simm.s32 $0xA;
	s5 =	simm.s32 $0x10;
	s3 =	sld [smem:$0x3FC7]  }
0x91: {  	[smem:s5], [sflag:s4] =	dma.local [hbm:s0], $0x1  }
0x92: {  	_ =	swait.eq [sflag:s4], $0x1  }
0x93: {  	[sflag:s4] =	ssyncset.done $0x0  }
0x94: {  	s15 =	sld [smem:$0x10];
	[sflag:s4] =	ssyncadd.s32 $0xFFFFFFFF  }
0x95: {  	s16 =	sld [smem:$0x11];
	(tm) =	ssettm $0x1  }
0x96: {  	s17 =	sld [smem:$0x3FFB];
	_ =	sdelay $0x3  }
0x97: {  	_ =	strace s17  }
0x98: {  	s5 =	sld [smem:$0x3FFC];
	_ =	sdelay $0x3  }
0x99: {  	_ =	strace s5  }
0x9a: {  	s5 =	sld [smem:$0x3FFD];
	_ =	sdelay $0x3  }
0x9b: {  	_ =	strace s5  }
0x9c: {  	_ =	strace $0x8FFFFFFF  }
0x9d: {  	s18 =	sld [smem:$0x3FDB];
	_ =	sdelay $0x1  }
0x9e: {  	s6 =	simm.s32 $_scs_section_size  }
0x9f: {  	s7 =	simm.s32 $_size__tile_overlayer_lowered;
	s8 =	simm.s32 $_tile_overlayer_lowered  }
0xa0: {  	s21 =	simm.s32 $0x1BFF;
	s20 =	sshll.u32 s8, $0x1;
	s5 =	sadd.s32 s6, s18  }
0xa1: {  	s9 =	simm.s32 $0x0;
	s19 =	sshll.u32 s7, $0x1;
	s7 =	sadd.s32 s20, s5  }
0xa2: {  	[timem:s9], [sflag:s21] =	dma.local [hbm:s7], s19  }
0xa3: {  	_ =	swait.ge [sflag:s21], s19  }
0xa4: {  	s6 =	ssub.s32 $0x0, s19;
	[sflag:s21] =	ssyncset.done $0x0  }
0xa5: {  	[sflag:s21] =	ssyncadd.s32 s6;
	_ =	sdelay $0x1  }
0xa6: {  	s22 =	simm.s32 $0x1B8B  }
0xa7: {  	_ =	swait.ge [sflag:s22], $0x1  }
0xa8: {  	[sflag:s22] =	ssyncset.done $0x0  }
0xa9: {  	s23 =	simm.s32 $0x1B8E;
	[sflag:s22] =	ssyncadd.s32 $0xFFFFFFFF  }
0xaa: {  	s24 =	simm.s32 $execute0_lowered;
	[smem:$0x3FD2] =	sst s23  }
0xab: {  	s6 =	sshll.u32 s24, $0x1;
	_ =	strace $0x80000046;
	[dreg:$0x1] =	wrdreg $0xFFFFFFFF  }
0xac: {  	s25 =	simm.s32 $_size_execute0_lowered;
	s5 =	sadd.s32 s5, s6;
	[dreg:$0x0] =	wrdreg $0x0  }
0xad: {  	s6 =	sshll.u32 s25, $0x1;
	[dreg:$0x2] =	wrdreg s5  }
0xae: {  	[dreg:$0x3] =	wrdreg s6  }
0xaf: {  	[dreg:$0x4] =	wrdreg $0xC0  }
0xb0: {  	_ =	task [dreg:s9], $0x5FFFF  }
0xb1: {  	[dreg:$0x1] =	wrdreg $0xFFFFFFFF  }
0xb2: {  	[dreg:$0x0] =	wrdreg $0x60  }
0xb3: {  	[dreg:$0x2] =	wrdreg s14  }
0xb4: {  	[dreg:$0x3] =	wrdreg s2  }
0xb5: {  	[dreg:$0x4] =	wrdreg s3  }
0xb6: {  	[dreg:$0x5] =	wrdreg s15  }
0xb7: {  	[dreg:$0x6] =	wrdreg s16  }
0xb8: {  	[dreg:$0x7] =	wrdreg $0x9  }
0xb9: {  	_ =	task.clear_ibuf [dreg:s9], $0x8FFFF;
	_ =	strace $0x90000046  }
0xba: {  	s26 =	simm.s32 $0x9;
	_ =	strace $0x80000048  }
0xbb: {  	_ =	swait.ge [sflag:s26], $0x1  }
0xbc: {  	[sflag:s26] =	ssyncadd.s32 $0xFFFFFFFF  }
0xbd: {  	_ =	strace $0x90000048  }
0xbe: {  	_ =	sfence  }
0xbf: {  	s28 =	sld [smem:$0x0];
	_ =	sdelay $0x1  }
0xc0: {  	s29 =	srdreg.scid  }
0xc1: {  	s30 =	sshll.u32 s29, $0xD;
	s31 =	sshrl.u32 s29, $0x2  }
0xc2: {  	s1 =	sand.u32 $0x1, s29;
	s2 =	sand.u32 $0x4000, s30;
	s0 =	sadd.s32 s31, s28  }
0xc3: {  	s1 =	sor.u32 s2, s1;
	s0 =	sshll.u32 s0, $0x11  }
0xc4: {  	s0 =	sor.u32 s0, s1  }
0xc5: {  	s0 =	sadd.s32 $0x8F2B, s0  }
0xc6: {  	[sflag:s0] =	ssyncadd.remote.s32 $0x1  }
0xc7: {  	_ =	sfence.sel $0xFFFF  }
0xc8: {  	[dreg:$0x0] =	wrdreg $0xFFFFFFFF;
	(pc) =	sbr.abs _section_cstart, $3  }
0xc9: {  	[dreg:$0x1] =	wrdreg $0xFFFFFFFF  }
0xca: {  	_ =	task.clear_ibuf [dreg:s9], $0x2FFFF;
	_ =	strace $0x9FFFFFFF  }
0xcb: {  	(tm) =	ssettm $0x7FFFFFFF  }
tec
execute0_lowered:
.L_overlay_start_1:
0x0: {  	(tag) =	ssettag $0x1  }
0x1: {  	s3 =	rddreg [dreg:$0x0]  }
0x2: {  	s4 =	rddreg [dreg:$0x1]  }
0x3: {  	s5 =	rddreg [dreg:$0x2]  }
0x4: {  	s1 =	rddreg [dreg:$0x3]  }
0x5: {  	s6 =	rddreg [dreg:$0x4];
	s2 =	simm.s32 $0x0  }
0x6: {  	[smem:$0x7FF] =	sst s2  }
0x7: {  	s0 =	rddreg [dreg:$0x5];
	_ =	strace $0x80000047  }
0x8: {  	[tilespmem:s2], [sflag:$0x1] =	stream.linear.gather [hbm4b:s3+s2], $0x200, $0x38;
	[tilespmem:$0x580] =	vst v63  }
0x9: {  	s19 =	simm.s32 $0x200  }
0xa: {  	[tilespmem:s19], [sflag:$0x2] =	stream.linear.gather [hbm4b:s4+s2], $0x80, $0x38;
	[tilespmem:$0x580] =	vst v63  }
0xb: {  	s20 =	simm.s32 $0x280  }
0xc: {  	v0 =	vimm.f32 $0.0e+00;
	[tilespmem:s20], [sflag:$0x3] =	stream.linear.gather [hbm4b:s5+s2], $0x80, $0x38;
	[tilespmem:$0x580] =	vst v63  }
0xd: {  	[tilespmem:$0x300] =	vst v0  }
0xe: {  	[tilespmem:$0x310] =	vst v0  }
0xf: {  	[tilespmem:$0x320] =	vst v0  }
0x10: {  	[tilespmem:$0x330] =	vst v0  }
0x11: {  	[tilespmem:$0x340] =	vst v0  }
0x12: {  	[tilespmem:$0x350] =	vst v0  }
0x13: {  	[tilespmem:$0x360] =	vst v0  }
0x14: {  	[tilespmem:$0x370] =	vst v0  }
0x15: {  	[tilespmem:$0x380] =	vst v0  }
0x16: {  	[tilespmem:$0x390] =	vst v0  }
0x17: {  	[tilespmem:$0x3A0] =	vst v0  }
0x18: {  	[tilespmem:$0x3B0] =	vst v0  }
0x19: {  	[tilespmem:$0x3C0] =	vst v0  }
0x1a: {  	[tilespmem:$0x3D0] =	vst v0  }
0x1b: {  	[tilespmem:$0x3E0] =	vst v0  }
0x1c: {  	[tilespmem:$0x3F0] =	vst v0  }
0x1d: {  	[tilespmem:$0x400] =	vst v0  }
0x1e: {  	[tilespmem:$0x410] =	vst v0  }
0x1f: {  	[tilespmem:$0x420] =	vst v0  }
0x20: {  	[tilespmem:$0x430] =	vst v0  }
0x21: {  	[tilespmem:$0x440] =	vst v0  }
0x22: {  	[tilespmem:$0x450] =	vst v0  }
0x23: {  	[tilespmem:$0x460] =	vst v0  }
0x24: {  	[tilespmem:$0x470] =	vst v0  }
0x25: {  	[tilespmem:$0x480] =	vst v0  }
0x26: {  	[tilespmem:$0x490] =	vst v0  }
0x27: {  	[tilespmem:$0x4A0] =	vst v0  }
0x28: {  	[tilespmem:$0x4B0] =	vst v0  }
0x29: {  	[tilespmem:$0x4C0] =	vst v0  }
0x2a: {  	[tilespmem:$0x4D0] =	vst v0  }
0x2b: {  	[tilespmem:$0x4E0] =	vst v0  }
0x2c: {  	s21 =	simm.s32 $0x3;
	[tilespmem:$0x4F0] =	vst v0  }
0x2d: {  	_ =	swait.ge [sflag:s21], $0x80  }
0x2e: {  	[sflag:s21] =	ssyncset.done $0x0  }
0x2f: {  	[sflag:s21] =	ssyncadd.s32 $0xFFFFFF80  }
0x30: {  	v0 =	vld [tilespmem:$0x280];
	_ =	sdelay $0x2  }
0x31: {  	s22 =	stileid.u32  }
0x32: {  	p0 =	sne.s32 s22, $0x0  }
0x33: {  	v1 =	vxor.u32 @!p0 $0x80000000, v0  }
0x34: {  	(xrf0) =	vmax.scan.msk.u32 @!p0 $0xffff, v1;
	_ =	sdelay $0x5  }
0x35: {  	v1, _, _ =	vpop @!p0 (xrf0)  }
0x36: {  	(v2sf) =	vpush @!p0 v1, $0xF;
	_ =	sdelay $0xe  }
0x37: {  	s4 =	spop @!p0 (v2sf)  }
0x38: {  	s4 =	sxor.u32 @!p0 $0x80000000, s4  }
0x39: {  	v1 =	vmov @!p0 s4  }
0x3a: {  	s23 =	simm.s32 $0x2;
	s5 =	simm.s32 @!p0 $0x500;
	s4 =	simm.s32 @!p0 $0x0;
	[tilespmem:$0x500] =	vst @!p0 v1  }
0x3b: {  	[hbm4b:s6+s4] =	stream.linear.scatter @!p0 [tilespmem:s5], [sflag:$0x4], $0x80, $0x38;
	[tilespmem:$0x580] =	vst v63  }
0x3c: {  	_ =	swait.ge [sflag:s23], $0x80  }
0x3d: {  	[sflag:s23] =	ssyncset.done $0x0  }
0x3e: {  	s24 =	simm.s32 $0x1;
	[sflag:s23] =	ssyncadd.s32 $0xFFFFFF80  }
0x3f: {  	_ =	swait.ge [sflag:s24], $0x200  }
0x40: {  	[sflag:s24] =	ssyncset.done $0x0  }
0x41: {  	[sflag:s24] =	ssyncadd.s32 $0xFFFFFE00  }
0x42: {  	v58 =	vld [tilespmem:$0x200];
	_ =	sdelay $0x7  }
0x43: {  	v2 =	vld.idx.msk [tilespmem:v58+s2+$0x0], $0xffff;
	_ =	sdelay $0x3  }
0x44: {  	vm0 =	vgt.s32 v0, $0x0  }
0x45: {  	v1 =	vsel vm0, v2, v58;
	_ =	sdelay $0x4  }
0x46: {  	v2 =	vld.idx.msk [tilespmem:v1+s2+$0x0], $0xffff;
	_ =	sdelay $0x3  }
0x47: {  	vm9 =	vgt.s32 v0, $0x1  }
0x48: {  	v1 =	vsel vm9, v2, v1;
	_ =	sdelay $0x4  }
0x49: {  	v2 =	vld.idx.msk [tilespmem:v1+s2+$0x0], $0xffff;
	_ =	sdelay $0x3  }
0x4a: {  	vm10 =	vgt.s32 v0, $0x2  }
0x4b: {  	v1 =	vsel vm10, v2, v1;
	_ =	sdelay $0x4  }
0x4c: {  	v2 =	vld.idx.msk [tilespmem:v1+s2+$0x0], $0xffff;
	_ =	sdelay $0x3  }
0x4d: {  	vm11 =	vgt.s32 v0, $0x3  }
0x4e: {  	v1 =	vsel vm11, v2, v1;
	_ =	sdelay $0x4  }
0x4f: {  	v2 =	vld.idx.msk [tilespmem:v1+s2+$0x0], $0xffff;
	_ =	sdelay $0x3  }
0x50: {  	vm12 =	vgt.s32 v0, $0x4  }
0x51: {  	v1 =	vsel vm12, v2, v1;
	_ =	sdelay $0x4  }
0x52: {  	v2 =	vld.idx.msk [tilespmem:v1+s2+$0x0], $0xffff;
	_ =	sdelay $0x3  }
0x53: {  	vm13 =	vgt.s32 v0, $0x5  }
0x54: {  	v1 =	vsel vm13, v2, v1;
	_ =	sdelay $0x4  }
0x55: {  	v2 =	vld.idx.msk [tilespmem:v1+s2+$0x0], $0xffff;
	_ =	sdelay $0x3  }
0x56: {  	vm14 =	vgt.s32 v0, $0x6  }
0x57: {  	v60 =	vlaneseq.u32;
	v59 =	vmov s22;
	v1 =	vsel vm14, v2, v1  }
0x58: {  	vm15 =	veq.s32 v59, v60;
	v61 =	vxor.u32 $0x80000000, v1  }
0x59: {  	v0 =	vnsel vm15, $0x80000000, v61  }
0x5a: {  	(xrf0) =	vmax.scan.msk.u32 $0xffff, v0;
	_ =	sdelay $0x5  }
0x5b: {  	v0, _, _ =	vpop (xrf0)  }
0x5c: {  	(v2sf) =	vpush v0, $0xF;
	_ =	sdelay $0xe  }
0x5d: {  	s25 =	spop (v2sf)  }
0x5e: {  	s2 =	sxor.u32 $0x80000000, s25  }
0x5f: {  	v62 =	vmov s2;
	_ =	sdelay $0x1  }
0x60: {  	s26 =	sshll.u32 s22, $0x4  }
0x61: {  	s28 =	simm.s32 $0x300;
	s3 =	sshll.u32 s22, $0x6;
	s2 =	sand.u32 $0x70, s26  }
0x62: {  	v63 =	vimm.f32 $1.000000000e+00;
	s29 =	simm.s32 $0x80;
	s3 =	sand.u32 $0x200, s3;
	s1 =	sadd.s32 s1, s2  }
0x63: {  	s30 =	simm.s32 $0x400;
	s31 =	simm.s32 $0x5;
	s1 =	sadd.s32 s3, s1;
	[tilespmem:v62+s28+$0x0] =	vst.idx.msk $0x1, v63  }
0x64: {  	[hbm4b:s1+s29] =	stream.strided.scatter [tilespmem:s28], [sflag:$0x5], $0x200, s30, s29, $0x38;
	[tilespmem:$0x580] =	vst v63  }
0x65: {  	_ =	swait.ge [sflag:s31], $0x200  }
0x66: {  	[sflag:s31] =	ssyncset.done $0x0  }
0x67: {  	[sflag:s31] =	ssyncadd.s32 $0xFFFFFE00  }
0x68: {  	_ =	sfence.sel @p0 $0x180000  }
0x69: {  	[bflag:$0x0] =	sbarrier.arrive @p0 $0xFFFF  }
0x6a: {  	_ =	strace @p0 $0x90000047  }
0x6b: {  	s1 =	simm.s32 @!p0 $0x4;
	[bflag:$0x2] =	sbarrier.arrive @p0 $0xFFFF  }
0x6c: {  	_ =	swait.ge @!p0 [sflag:s1], $0x80  }
0x6d: {  	[sflag:s1] =	ssyncset.done @!p0 $0x0  }
0x6e: {  	[sflag:s1] =	ssyncadd.s32 @!p0 $0xFFFFFF80  }
0x6f: {  	_ =	sfence.sel @!p0 $0x180000  }
0x70: {  	[bflag:$0x0] =	sbarrier.arrive @!p0 $0xFFFF  }
0x71: {  	_ =	strace @!p0 $0x90000047  }
0x72: {  	s0 =	sadd.s32 @!p0 $0x100000, s0;
	[bflag:$0x2] =	sbarrier.arrive @!p0 $0xFFFF  }
0x73: {  	[sflag:s0] =	ssyncadd.tile.s32 @!p0 $0x1;
	_ =	shalt  }
.Lfunc_end2:
_tile_overlayer_lowered:
.L_overlay_start_2:
0x74: {  	(tag) =	ssettag $0x2  }
0x75: {  	s0 =	rddreg [dreg:$0x0];
	s2 =	stileid.u32  }
0x76: {  	s1 =	rddreg [dreg:$0x1];
	p0 =	sne.s32 s2, $0x0  }
0x77: {  	s3 =	rddreg [dreg:$0x2];
	[bflag:$0x3] =	sbarrier.arrive $0xFFFF;
	s2 =	simm.s32 @!p0 $0x1C05  }
0x78: {  	[timem:s3], [sflag:s2] =	dma.local @!p0 [hbm:s0], s1  }
0x79: {  	s0 =	simm.s32 @!p0 $0x5  }
0x7a: {  	_ =	swait.ge @!p0 [sflag:s0], s1  }
0x7b: {  	s1 =	ssub.s32 @!p0 $0x0, s1;
	[sflag:s0] =	ssyncset.done @!p0 $0x0  }
0x7c: {  	[sflag:s0] =	ssyncadd.s32 @!p0 s1  }
0x7d: {  	[bflag:$0x3] =	sbarrier.arrive $0xFFFF  }
0x7e: {  	_ =	shalt  }

</sc_bundles>
